<compile_context>
chip_gen: v7x
topology: tpu7x:2x2x1
jax: 0.10.2.dev20260603
libtpu: 0.0.44.dev20260713+nightly
codegen_flags: <defaults>
</compile_context>

<pallas_src>
import jax
import jax.numpy as jnp
from jax import lax
from jax.experimental import pallas as pl
from jax.experimental.pallas import tpu as pltpu
from jax.experimental.pallas import tpu_sc as plsc

N = 32768
D = 768
E = 64
BLOCK_N = 4096
S = 1

NW = 32
ROWS_PER_W = N // NW
HALF = ROWS_PER_W // 2
GROUPS_H = HALF // 16


def _lex_take(v1, j1, v2, j2):
    return (v1 > v2) | ((v1 == v2) & (j1 < j2))


def _merge_lex(A, B):
    m1a, a1a, m2a, a2a = A
    m1b, a1b, m2b, a2b = B
    take = _lex_take(m1a, a1a, m1b, a1b)
    m1 = jnp.where(take, m1a, m1b)
    a1 = jnp.where(take, a1a, a1b)
    sa = _lex_take(m2a, a2a, m1b, a1b)
    sb = _lex_take(m1a, a1a, m2b, a2b)
    m2 = jnp.where(take, jnp.where(sa, m2a, m1b), jnp.where(sb, m1a, m2b))
    a2 = jnp.where(take, jnp.where(sa, a2a, a1b), jnp.where(sb, a1a, a2b))
    return m1, a1, m2, a2


def _matmul_reduce_body(x_ref, w_ref, packed_ref):
    lt = lax.dot_general(
        w_ref[...], x_ref[...], (((1,), (1,)), ((), ())),
        preferred_element_type=jnp.float32)
    a, b = lt[0:32], lt[32:64]
    ia = jax.lax.broadcasted_iota(jnp.int32, (32, BLOCK_N), 0)
    ib = ia + 32
    take = a >= b
    t = (jnp.maximum(a, b), jnp.where(take, ia, ib),
         jnp.minimum(a, b), jnp.where(take, ib, ia))
    for k in (16, 8, 4, 2, 1):
        t = _merge_lex(tuple(v[:k] for v in t), tuple(v[k:] for v in t))
    m1, i1, m2, i2 = t
    packed_ref[...] = jnp.concatenate([
        m1, m2, (i1 | (i2 << 8)).astype(jnp.float32),
    ], axis=0)


def _tc_partial_top2(x, W):
    return pl.pallas_call(
        _matmul_reduce_body,
        grid=(N // BLOCK_N,),
        in_specs=[
            pl.BlockSpec((BLOCK_N, D), lambda i: (i, 0)),
            pl.BlockSpec((E, D), lambda i: (0, 0)),
        ],
        out_specs=pl.BlockSpec((3, BLOCK_N), lambda i: (0, i)),
        out_shape=jax.ShapeDtypeStruct((3, N), jnp.float32),
    )(x, W)


def _route_body(pk_hbm, out_hbm, pk_v0, pk_v1, ob_v, sem0, sem1):
    wid = lax.axis_index("s") * 2 + lax.axis_index("c")
    base = wid * ROWS_PER_W

    cp0 = pltpu.make_async_copy(pk_hbm.at[:, pl.ds(base, HALF)], pk_v0, sem0)
    cp1 = pltpu.make_async_copy(pk_hbm.at[:, pl.ds(base + HALF, HALF)],
                                pk_v1, sem1)
    cp0.start()
    cp1.start()

    def make_group(pk_v, col0):
        def group(g, _):
            row0 = g * 16
            m1 = pk_v[0, pl.ds(row0, 16)]
            m2 = pk_v[1, pl.ds(row0, 16)]
            packed = pk_v[2, pl.ds(row0, 16)].astype(jnp.int32)
            a1 = packed & 0xFF
            a2 = packed >> 8

            e2 = jnp.exp(m2 - m1)
            den = 1.0 + e2
            col = col0 + row0
            ob_v[0, pl.ds(col, 16)] = a1.astype(jnp.float32)
            ob_v[1, pl.ds(col, 16)] = a2.astype(jnp.float32)
            ob_v[2, pl.ds(col, 16)] = 1.0 / den
            ob_v[3, pl.ds(col, 16)] = e2 / den
            return 0
        return group

    cp0.wait()
    lax.fori_loop(0, GROUPS_H, make_group(pk_v0, 0), 0)
    cp1.wait()
    lax.fori_loop(0, GROUPS_H, make_group(pk_v1, HALF), 0)

    pltpu.sync_copy(ob_v, out_hbm.at[:, pl.ds(base, ROWS_PER_W)])


_sc_route = pl.kernel(
    _route_body,
    out_type=jax.ShapeDtypeStruct((4, N), jnp.float32),
    mesh=plsc.VectorSubcoreMesh(core_axis_name="c", subcore_axis_name="s"),
    scratch_types=[
        pltpu.VMEM((3, HALF), jnp.float32),
        pltpu.VMEM((3, HALF), jnp.float32),
        pltpu.VMEM((4, ROWS_PER_W), jnp.float32),
        pltpu.SemaphoreType.DMA,
        pltpu.SemaphoreType.DMA,
    ],
)


@jax.jit
def kernel(x, W):
    packed = _tc_partial_top2(x, W)
    out = _sc_route(packed)
    idx = out[:2].T.astype(jnp.int32)
    gates = out[2:].T
    return idx, gates

# --- scband reference (transcript-rebuilt; emitter-appended) ---
"""Pipeline reference for scband-noisy-top-krouter-81484119540362 (READ-ONLY COPY).

The authoritative reference and input builder live on the scoring server;
editing this copy changes nothing except your own understanding.
"""

import jax, jax.numpy as jnp
import numpy as np

N = 32768
D = 768
E = 64
TOP_K = 2

def setup_inputs(seed: int = 0) -> dict:
    key = jax.random.key(seed)
    k1, k2 = jax.random.split(key)
    x = jax.random.normal(k1, (N, D), dtype=jnp.float32)
    # nn.Linear(hidden_dim, num_experts, bias=False) weight: [E, D]
    W = jax.random.normal(k2, (E, D), dtype=jnp.float32) * (1.0 / np.sqrt(D))
    return {"x": x, "W": W}

def reference(x, W):
    # Eval-mode routing (noise skipped, deterministic, like module.eval()).
    logits = x @ W.T  # [N, E]
    topk_vals, topk_idx = jax.lax.top_k(logits, TOP_K)  # [N, K]
    mask = jnp.full_like(logits, -jnp.inf)
    rows = jnp.arange(logits.shape[0])[:, None]
    mask = mask.at[rows, topk_idx].set(topk_vals)  # scatter topk vals
    gates = jax.nn.softmax(mask, axis=-1)  # zeros outside top-k
    gathered_gates = jnp.take_along_axis(gates, topk_idx, axis=-1)  # [N, K]
    return topk_idx, gathered_gates

if __name__ == "__main__":
    import jax
    _d = setup_inputs()
    print(jax.jit(kernel)(*tuple(_d.values())))

</pallas_src>

<mosaic_0001>
#map = affine_map<(d0, d1) -> (0, 0)>
module attributes {stable_mosaic.version = 14 : i64} {
  func.func @_route_body(%arg0: i32, %arg1: i32, %arg2: memref<3x32768xf32, #tpu.memory_space<hbm>>, %arg3: memref<4x32768xf32, #tpu.memory_space<hbm>>, %arg4: memref<3x512xf32, #tpu.memory_space<vmem>>, %arg5: memref<3x512xf32, #tpu.memory_space<vmem>>, %arg6: memref<4x1024xf32, #tpu.memory_space<vmem>>, %arg7: memref<!tpu.dma_semaphore, #tpu.memory_space<semaphore_mem>>, %arg8: memref<!tpu.dma_semaphore, #tpu.memory_space<semaphore_mem>>) attributes {dimension_semantics = [#tpu.dimension_semantics<core_parallel>, #tpu.dimension_semantics<subcore_parallel>], iteration_bounds = array<i64: 2, 16>, scalar_prefetch = 0 : i64, scratch_operands = 5 : i64, tpu.core_type = #tpu.core_type<sc_vector_subcore>, window_params = [{transform_indices = #map}, {transform_indices = #map}]} {
    %mul3A = arith.constant 2 : i32
    %mul3A_0 = arith.muli %arg1, %mul3A : i32
    %add3A = arith.addi %mul3A_0, %arg0 : i32
    %mul3A_1 = arith.constant 1024 : i32
    %mul3A_2 = arith.muli %add3A, %mul3A_1 : i32
    %add3A_3 = arith.constant 512 : i32
    %add3A_4 = arith.addi %mul3A_2, %add3A_3 : i32
    %dma_start3A = arith.constant 0 : i32
    %dma_start3A_5 = tpu.memref_slice %arg2[%dma_start3A, %mul3A_2] : memref<3x32768xf32, #tpu.memory_space<hbm>> -> memref<3x512xf32, #tpu.memory_space<hbm>>
    %dma_start3A_6 = arith.constant 0 : i32
    %dma_start3A_7 = tpu.memref_slice %arg2[%dma_start3A_6, %mul3A_2] : memref<3x32768xf32, #tpu.memory_space<hbm>> -> memref<3x512xf32, #tpu.memory_space<hbm>>
    tpu.enqueue_dma source(%dma_start3A_7 : memref<3x512xf32, #tpu.memory_space<hbm>>) target(%arg4 : memref<3x512xf32, #tpu.memory_space<vmem>>) target_semaphore(%arg7 : memref<!tpu.dma_semaphore, #tpu.memory_space<semaphore_mem>>)
    %dma_start3A_8 = arith.constant 0 : i32
    %dma_start3A_9 = tpu.memref_slice %arg2[%dma_start3A_8, %add3A_4] : memref<3x32768xf32, #tpu.memory_space<hbm>> -> memref<3x512xf32, #tpu.memory_space<hbm>>
    %dma_start3A_10 = arith.constant 0 : i32
    %dma_start3A_11 = tpu.memref_slice %arg2[%dma_start3A_10, %add3A_4] : memref<3x32768xf32, #tpu.memory_space<hbm>> -> memref<3x512xf32, #tpu.memory_space<hbm>>
    tpu.enqueue_dma source(%dma_start3A_11 : memref<3x512xf32, #tpu.memory_space<hbm>>) target(%arg5 : memref<3x512xf32, #tpu.memory_space<vmem>>) target_semaphore(%arg8 : memref<!tpu.dma_semaphore, #tpu.memory_space<semaphore_mem>>)
    %dma_wait3A = arith.constant 0 : i32
    %dma_wait3A_12 = tpu.memref_slice %arg2[%dma_wait3A, %mul3A_2] : memref<3x32768xf32, #tpu.memory_space<hbm>> -> memref<3x512xf32, #tpu.memory_space<hbm>>
    %dma_wait3A_13 = arith.constant 0 : i32
    %dma_wait3A_14 = tpu.memref_slice %arg2[%dma_wait3A_13, %mul3A_2] : memref<3x32768xf32, #tpu.memory_space<hbm>> -> memref<3x512xf32, #tpu.memory_space<hbm>>
    tpu.wait_dma2 semaphore(%arg7 : memref<!tpu.dma_semaphore, #tpu.memory_space<semaphore_mem>>) src(%dma_wait3A_14 : memref<3x512xf32, #tpu.memory_space<hbm>>) dst(%arg4 : memref<3x512xf32, #tpu.memory_space<vmem>>)
    %scan3A = arith.constant 0 : i32
    %scan3A_15 = arith.constant 0 : i32
    %scan3A_16 = arith.constant 32 : i32
    %scan3A_17 = arith.addi %scan3A_15, %scan3A_16 : i32
    %scan3A_18 = arith.constant 1 : i32
    %scan3A_19 = scf.for %scan3A_32 = %scan3A_15 to %scan3A_17 step %scan3A_18 iter_args(%scan3A_33 = %scan3A) -> (i32)  : i32 {
      %mul3A_34 = arith.constant 16 : i32
      %mul3A_35 = arith.muli %scan3A_32, %mul3A_34 : i32
      %get3A = arith.constant 0 : i32
      %get3A_36 = arith.index_cast %get3A : i32 to index
      %get3A_37 = arith.index_cast %mul3A_35 : i32 to index
      %get3A_38 = tpu.vector_load %arg4[%get3A_36, %get3A_37] {strides = array<i32>} : memref<3x512xf32, #tpu.memory_space<vmem>>, vector<1x16xf32>,
      %get3A_39 = vector.shape_cast %get3A_38 : vector<1x16xf32> to vector<16xf32>
      %get3A_40 = arith.constant 1 : i32
      %get3A_41 = arith.index_cast %get3A_40 : i32 to index
      %get3A_42 = arith.index_cast %mul3A_35 : i32 to index
      %get3A_43 = tpu.vector_load %arg4[%get3A_41, %get3A_42] {strides = array<i32>} : memref<3x512xf32, #tpu.memory_space<vmem>>, vector<1x16xf32>,
      %get3A_44 = vector.shape_cast %get3A_43 : vector<1x16xf32> to vector<16xf32>
      %get3A_45 = arith.constant 2 : i32
      %get3A_46 = arith.index_cast %get3A_45 : i32 to index
      %get3A_47 = arith.index_cast %mul3A_35 : i32 to index
      %get3A_48 = tpu.vector_load %arg4[%get3A_46, %get3A_47] {strides = array<i32>} : memref<3x512xf32, #tpu.memory_space<vmem>>, vector<1x16xf32>,
      %get3A_49 = vector.shape_cast %get3A_48 : vector<1x16xf32> to vector<16xf32>
      %convert_element_type3A = arith.fptosi %get3A_49 : vector<16xf32> to vector<16xi32>
      %and3A = arith.constant 255 : i32
      %and3A_50 = vector.broadcast %and3A : i32 to vector<16xi32>
      %and3A_51 = arith.andi %convert_element_type3A, %and3A_50 : vector<16xi32>
      %shift_right_arithmetic3A = arith.constant 8 : i32
      %shift_right_arithmetic3A_52 = vector.broadcast %shift_right_arithmetic3A : i32 to vector<16xi32>
      %shift_right_arithmetic3A_53 = arith.shrsi %convert_element_type3A, %shift_right_arithmetic3A_52 : vector<16xi32>
      %sub3A = arith.subf %get3A_44, %get3A_39 : vector<16xf32>
      %exp3A = math.exp %sub3A : vector<16xf32>
      %add3A_54 = arith.constant 1.000000e+00 : f32
      %add3A_55 = vector.broadcast %add3A_54 : f32 to vector<16xf32>
      %add3A_56 = arith.addf %add3A_55, %exp3A : vector<16xf32>
      %add3A_57 = arith.constant 0 : i32
      %add3A_58 = arith.addi %add3A_57, %mul3A_35 : i32
      %convert_element_type3A_59 = arith.sitofp %and3A_51 : vector<16xi32> to vector<16xf32>
      %swap3A = arith.constant 0 : i32
      %swap3A_60 = arith.index_cast %swap3A : i32 to index
      %swap3A_61 = arith.index_cast %add3A_58 : i32 to index
      %swap3A_62 = tpu.vector_load %arg6[%swap3A_60, %swap3A_61] {strides = array<i32>} : memref<4x1024xf32, #tpu.memory_space<vmem>>, vector<1x16xf32>,
      %swap3A_63 = vector.shape_cast %swap3A_62 : vector<1x16xf32> to vector<16xf32>
      %swap3A_64 = vector.shape_cast %convert_element_type3A_59 : vector<16xf32> to vector<1x16xf32>
      tpu.vector_store %arg6[%swap3A_60, %swap3A_61], %swap3A_64 {strides = array<i32>} : memref<4x1024xf32, #tpu.memory_space<vmem>>, vector<1x16xf32>,
      %convert_element_type3A_65 = arith.sitofp %shift_right_arithmetic3A_53 : vector<16xi32> to vector<16xf32>
      %swap3A_66 = arith.constant 1 : i32
      %swap3A_67 = arith.index_cast %swap3A_66 : i32 to index
      %swap3A_68 = arith.index_cast %add3A_58 : i32 to index
      %swap3A_69 = tpu.vector_load %arg6[%swap3A_67, %swap3A_68] {strides = array<i32>} : memref<4x1024xf32, #tpu.memory_space<vmem>>, vector<1x16xf32>,
      %swap3A_70 = vector.shape_cast %swap3A_69 : vector<1x16xf32> to vector<16xf32>
      %swap3A_71 = vector.shape_cast %convert_element_type3A_65 : vector<16xf32> to vector<1x16xf32>
      tpu.vector_store %arg6[%swap3A_67, %swap3A_68], %swap3A_71 {strides = array<i32>} : memref<4x1024xf32, #tpu.memory_space<vmem>>, vector<1x16xf32>,
      %div3A = arith.constant 1.000000e+00 : f32
      %div3A_72 = vector.broadcast %div3A : f32 to vector<16xf32>
      %div3A_73 = arith.divf %div3A_72, %add3A_56 : vector<16xf32>
      %swap3A_74 = arith.constant 2 : i32
      %swap3A_75 = arith.index_cast %swap3A_74 : i32 to index
      %swap3A_76 = arith.index_cast %add3A_58 : i32 to index
      %swap3A_77 = tpu.vector_load %arg6[%swap3A_75, %swap3A_76] {strides = array<i32>} : memref<4x1024xf32, #tpu.memory_space<vmem>>, vector<1x16xf32>,
      %swap3A_78 = vector.shape_cast %swap3A_77 : vector<1x16xf32> to vector<16xf32>
      %swap3A_79 = vector.shape_cast %div3A_73 : vector<16xf32> to vector<1x16xf32>
      tpu.vector_store %arg6[%swap3A_75, %swap3A_76], %swap3A_79 {strides = array<i32>} : memref<4x1024xf32, #tpu.memory_space<vmem>>, vector<1x16xf32>,
      %div3A_80 = arith.divf %exp3A, %add3A_56 : vector<16xf32>
      %swap3A_81 = arith.constant 3 : i32
      %swap3A_82 = arith.index_cast %swap3A_81 : i32 to index
      %swap3A_83 = arith.index_cast %add3A_58 : i32 to index
      %swap3A_84 = tpu.vector_load %arg6[%swap3A_82, %swap3A_83] {strides = array<i32>} : memref<4x1024xf32, #tpu.memory_space<vmem>>, vector<1x16xf32>,
      %swap3A_85 = vector.shape_cast %swap3A_84 : vector<1x16xf32> to vector<16xf32>
      %swap3A_86 = vector.shape_cast %div3A_80 : vector<16xf32> to vector<1x16xf32>
      tpu.vector_store %arg6[%swap3A_82, %swap3A_83], %swap3A_86 {strides = array<i32>} : memref<4x1024xf32, #tpu.memory_space<vmem>>, vector<1x16xf32>,
      %scan3A_87 = arith.constant 0 : i32
      scf.yield %scan3A_87 : i32
    }
    %scan3A_20 = arith.constant 32 : i32
    %dma_wait3A_21 = arith.constant 0 : i32
    %dma_wait3A_22 = tpu.memref_slice %arg2[%dma_wait3A_21, %add3A_4] : memref<3x32768xf32, #tpu.memory_space<hbm>> -> memref<3x512xf32, #tpu.memory_space<hbm>>
    %dma_wait3A_23 = arith.constant 0 : i32
    %dma_wait3A_24 = tpu.memref_slice %arg2[%dma_wait3A_23, %add3A_4] : memref<3x32768xf32, #tpu.memory_space<hbm>> -> memref<3x512xf32, #tpu.memory_space<hbm>>
    tpu.wait_dma2 semaphore(%arg8 : memref<!tpu.dma_semaphore, #tpu.memory_space<semaphore_mem>>) src(%dma_wait3A_24 : memref<3x512xf32, #tpu.memory_space<hbm>>) dst(%arg5 : memref<3x512xf32, #tpu.memory_space<vmem>>)
    %scan3A_25 = arith.constant 0 : i32
    %scan3A_26 = arith.constant 0 : i32
    %scan3A_27 = arith.constant 32 : i32
    %scan3A_28 = arith.addi %scan3A_26, %scan3A_27 : i32
    %scan3A_29 = arith.constant 1 : i32
    %scan3A_30 = scf.for %scan3A_32 = %scan3A_26 to %scan3A_28 step %scan3A_29 iter_args(%scan3A_33 = %scan3A_25) -> (i32)  : i32 {
      %mul3A_34 = arith.constant 16 : i32
      %mul3A_35 = arith.muli %scan3A_32, %mul3A_34 : i32
      %get3A = arith.constant 0 : i32
      %get3A_36 = arith.index_cast %get3A : i32 to index
      %get3A_37 = arith.index_cast %mul3A_35 : i32 to index
      %get3A_38 = tpu.vector_load %arg5[%get3A_36, %get3A_37] {strides = array<i32>} : memref<3x512xf32, #tpu.memory_space<vmem>>, vector<1x16xf32>,
      %get3A_39 = vector.shape_cast %get3A_38 : vector<1x16xf32> to vector<16xf32>
      %get3A_40 = arith.constant 1 : i32
      %get3A_41 = arith.index_cast %get3A_40 : i32 to index
      %get3A_42 = arith.index_cast %mul3A_35 : i32 to index
      %get3A_43 = tpu.vector_load %arg5[%get3A_41, %get3A_42] {strides = array<i32>} : memref<3x512xf32, #tpu.memory_space<vmem>>, vector<1x16xf32>,
      %get3A_44 = vector.shape_cast %get3A_43 : vector<1x16xf32> to vector<16xf32>
      %get3A_45 = arith.constant 2 : i32
      %get3A_46 = arith.index_cast %get3A_45 : i32 to index
      %get3A_47 = arith.index_cast %mul3A_35 : i32 to index
      %get3A_48 = tpu.vector_load %arg5[%get3A_46, %get3A_47] {strides = array<i32>} : memref<3x512xf32, #tpu.memory_space<vmem>>, vector<1x16xf32>,
      %get3A_49 = vector.shape_cast %get3A_48 : vector<1x16xf32> to vector<16xf32>
      %convert_element_type3A = arith.fptosi %get3A_49 : vector<16xf32> to vector<16xi32>
      %and3A = arith.constant 255 : i32
      %and3A_50 = vector.broadcast %and3A : i32 to vector<16xi32>
      %and3A_51 = arith.andi %convert_element_type3A, %and3A_50 : vector<16xi32>
      %shift_right_arithmetic3A = arith.constant 8 : i32
      %shift_right_arithmetic3A_52 = vector.broadcast %shift_right_arithmetic3A : i32 to vector<16xi32>
      %shift_right_arithmetic3A_53 = arith.shrsi %convert_element_type3A, %shift_right_arithmetic3A_52 : vector<16xi32>
      %sub3A = arith.subf %get3A_44, %get3A_39 : vector<16xf32>
      %exp3A = math.exp %sub3A : vector<16xf32>
      %add3A_54 = arith.constant 1.000000e+00 : f32
      %add3A_55 = vector.broadcast %add3A_54 : f32 to vector<16xf32>
      %add3A_56 = arith.addf %add3A_55, %exp3A : vector<16xf32>
      %add3A_57 = arith.constant 512 : i32
      %add3A_58 = arith.addi %add3A_57, %mul3A_35 : i32
      %convert_element_type3A_59 = arith.sitofp %and3A_51 : vector<16xi32> to vector<16xf32>
      %swap3A = arith.constant 0 : i32
      %swap3A_60 = arith.index_cast %swap3A : i32 to index
      %swap3A_61 = arith.index_cast %add3A_58 : i32 to index
      %swap3A_62 = tpu.vector_load %arg6[%swap3A_60, %swap3A_61] {strides = array<i32>} : memref<4x1024xf32, #tpu.memory_space<vmem>>, vector<1x16xf32>,
      %swap3A_63 = vector.shape_cast %swap3A_62 : vector<1x16xf32> to vector<16xf32>
      %swap3A_64 = vector.shape_cast %convert_element_type3A_59 : vector<16xf32> to vector<1x16xf32>
      tpu.vector_store %arg6[%swap3A_60, %swap3A_61], %swap3A_64 {strides = array<i32>} : memref<4x1024xf32, #tpu.memory_space<vmem>>, vector<1x16xf32>,
      %convert_element_type3A_65 = arith.sitofp %shift_right_arithmetic3A_53 : vector<16xi32> to vector<16xf32>
      %swap3A_66 = arith.constant 1 : i32
      %swap3A_67 = arith.index_cast %swap3A_66 : i32 to index
      %swap3A_68 = arith.index_cast %add3A_58 : i32 to index
      %swap3A_69 = tpu.vector_load %arg6[%swap3A_67, %swap3A_68] {strides = array<i32>} : memref<4x1024xf32, #tpu.memory_space<vmem>>, vector<1x16xf32>,
      %swap3A_70 = vector.shape_cast %swap3A_69 : vector<1x16xf32> to vector<16xf32>
      %swap3A_71 = vector.shape_cast %convert_element_type3A_65 : vector<16xf32> to vector<1x16xf32>
      tpu.vector_store %arg6[%swap3A_67, %swap3A_68], %swap3A_71 {strides = array<i32>} : memref<4x1024xf32, #tpu.memory_space<vmem>>, vector<1x16xf32>,
      %div3A = arith.constant 1.000000e+00 : f32
      %div3A_72 = vector.broadcast %div3A : f32 to vector<16xf32>
      %div3A_73 = arith.divf %div3A_72, %add3A_56 : vector<16xf32>
      %swap3A_74 = arith.constant 2 : i32
      %swap3A_75 = arith.index_cast %swap3A_74 : i32 to index
      %swap3A_76 = arith.index_cast %add3A_58 : i32 to index
      %swap3A_77 = tpu.vector_load %arg6[%swap3A_75, %swap3A_76] {strides = array<i32>} : memref<4x1024xf32, #tpu.memory_space<vmem>>, vector<1x16xf32>,
      %swap3A_78 = vector.shape_cast %swap3A_77 : vector<1x16xf32> to vector<16xf32>
      %swap3A_79 = vector.shape_cast %div3A_73 : vector<16xf32> to vector<1x16xf32>
      tpu.vector_store %arg6[%swap3A_75, %swap3A_76], %swap3A_79 {strides = array<i32>} : memref<4x1024xf32, #tpu.memory_space<vmem>>, vector<1x16xf32>,
      %div3A_80 = arith.divf %exp3A, %add3A_56 : vector<16xf32>
      %swap3A_81 = arith.constant 3 : i32
      %swap3A_82 = arith.index_cast %swap3A_81 : i32 to index
      %swap3A_83 = arith.index_cast %add3A_58 : i32 to index
      %swap3A_84 = tpu.vector_load %arg6[%swap3A_82, %swap3A_83] {strides = array<i32>} : memref<4x1024xf32, #tpu.memory_space<vmem>>, vector<1x16xf32>,
      %swap3A_85 = vector.shape_cast %swap3A_84 : vector<1x16xf32> to vector<16xf32>
      %swap3A_86 = vector.shape_cast %div3A_80 : vector<16xf32> to vector<1x16xf32>
      tpu.vector_store %arg6[%swap3A_82, %swap3A_83], %swap3A_86 {strides = array<i32>} : memref<4x1024xf32, #tpu.memory_space<vmem>>, vector<1x16xf32>,
      %scan3A_87 = arith.constant 0 : i32
      scf.yield %scan3A_87 : i32
    }
    %scan3A_31 = arith.constant 32 : i32
    "tpu.region"() ({
      %run_scoped3A = tpu.sem_alloc : memref<!tpu.dma_semaphore, #tpu.memory_space<semaphore_mem>>
      %dma_start3A_32 = arith.constant 0 : i32
      %dma_start3A_33 = tpu.memref_slice %arg3[%dma_start3A_32, %mul3A_2] : memref<4x32768xf32, #tpu.memory_space<hbm>> -> memref<4x1024xf32, #tpu.memory_space<hbm>>
      %dma_start3A_34 = arith.constant 0 : i32
      %dma_start3A_35 = tpu.memref_slice %arg3[%dma_start3A_34, %mul3A_2] : memref<4x32768xf32, #tpu.memory_space<hbm>> -> memref<4x1024xf32, #tpu.memory_space<hbm>>
      tpu.enqueue_dma source(%arg6 : memref<4x1024xf32, #tpu.memory_space<vmem>>) target(%dma_start3A_35 : memref<4x1024xf32, #tpu.memory_space<hbm>>) target_semaphore(%run_scoped3A : memref<!tpu.dma_semaphore, #tpu.memory_space<semaphore_mem>>)
      %dma_wait3A_36 = arith.constant 0 : i32
      %dma_wait3A_37 = tpu.memref_slice %arg3[%dma_wait3A_36, %mul3A_2] : memref<4x32768xf32, #tpu.memory_space<hbm>> -> memref<4x1024xf32, #tpu.memory_space<hbm>>
      %dma_wait3A_38 = arith.constant 0 : i32
      %dma_wait3A_39 = tpu.memref_slice %arg3[%dma_wait3A_38, %mul3A_2] : memref<4x32768xf32, #tpu.memory_space<hbm>> -> memref<4x1024xf32, #tpu.memory_space<hbm>>
      tpu.wait_dma2 semaphore(%run_scoped3A : memref<!tpu.dma_semaphore, #tpu.memory_space<semaphore_mem>>) src(%arg6 : memref<4x1024xf32, #tpu.memory_space<vmem>>) dst(%dma_wait3A_39 : memref<4x1024xf32, #tpu.memory_space<hbm>>)
      tpu.yield
    }) : () -> ()
    return
  }
}

module attributes {stable_mosaic.version = 14 : i64} {
  func.func @_matmul_reduce_body(%arg0: i32, %arg1: memref<4096x768xf32, #tpu.memory_space<vmem>>, %arg2: memref<64x768xf32, #tpu.memory_space<vmem>>, %arg3: memref<3x4096xf32, #tpu.memory_space<vmem>>) attributes {dimension_semantics = [#tpu.dimension_semantics<arbitrary>], iteration_bounds = array<i64: 8>, scalar_prefetch = 0 : i64, scratch_operands = 0 : i64, tpu.core_type = #tpu.core_type<tc>, window_params = [{transform_indices = @transform_0, window_bounds = array<i64: 4096, 768>}, {pipeline_mode = #tpu.pipeline_mode<synchronous>, transform_indices = @transform_1, window_bounds = array<i64: 64, 768>}, {transform_indices = @transform_2, window_bounds = array<i64: 3, 4096>}]} {
    %get3A = arith.constant 0 : index
    %get3A_0 = arith.constant 0 : index
    %get3A_1 = vector.load %arg2[%get3A, %get3A_0] : memref<64x768xf32, #tpu.memory_space<vmem>>, vector<64x768xf32>
    %get3A_2 = arith.constant 0 : index
    %get3A_3 = arith.constant 0 : index
    %get3A_4 = vector.load %arg1[%get3A_2, %get3A_3] : memref<4096x768xf32, #tpu.memory_space<vmem>>, vector<4096x768xf32>
    %dot_general3A = arith.constant dense<0.000000e+00> : vector<64x4096xf32>
    %dot_general3A_5 = tpu.matmul %get3A_1, %get3A_4, %dot_general3A {dimension_numbers = #tpu.dot_dimension_numbers<[1], [1], [0], [0], [0, 0, 1, 0], [], []>, transpose_lhs_hint = false} : vector<64x768xf32>, vector<4096x768xf32>, vector<64x4096xf32> -> vector<64x4096xf32>
    %slice3A = vector.extract_strided_slice %dot_general3A_5 {offsets = [0, 0], sizes = [32, 4096], strides = [1, 1]} : vector<64x4096xf32> to vector<32x4096xf32>
    %slice3A_6 = vector.extract_strided_slice %dot_general3A_5 {offsets = [32, 0], sizes = [32, 4096], strides = [1, 1]} : vector<64x4096xf32> to vector<32x4096xf32>
    %iota3A = tpu.iota {dimensions = array<i32: 0>} : vector<32x4096xi32>
    %add3A = arith.constant 32 : i32
    %add3A_7 = vector.broadcast %add3A : i32 to vector<32x4096xi32>
    %add3A_8 = arith.addi %iota3A, %add3A_7 : vector<32x4096xi32>
    %ge3A = arith.cmpf oge, %slice3A, %slice3A_6 : vector<32x4096xf32>
    %max3A = arith.maximumf %slice3A, %slice3A_6 : vector<32x4096xf32>
    %select_n3A = arith.select %ge3A, %iota3A, %add3A_8 : vector<32x4096xi1>, vector<32x4096xi32>
    %min3A = arith.minimumf %slice3A, %slice3A_6 : vector<32x4096xf32>
    %select_n3A_9 = arith.select %ge3A, %add3A_8, %iota3A : vector<32x4096xi1>, vector<32x4096xi32>
    %slice3A_10 = vector.extract_strided_slice %max3A {offsets = [0, 0], sizes = [16, 4096], strides = [1, 1]} : vector<32x4096xf32> to vector<16x4096xf32>
    %slice3A_11 = vector.extract_strided_slice %select_n3A {offsets = [0, 0], sizes = [16, 4096], strides = [1, 1]} : vector<32x4096xi32> to vector<16x4096xi32>
    %slice3A_12 = vector.extract_strided_slice %min3A {offsets = [0, 0], sizes = [16, 4096], strides = [1, 1]} : vector<32x4096xf32> to vector<16x4096xf32>
    %slice3A_13 = vector.extract_strided_slice %select_n3A_9 {offsets = [0, 0], sizes = [16, 4096], strides = [1, 1]} : vector<32x4096xi32> to vector<16x4096xi32>
    %slice3A_14 = vector.extract_strided_slice %max3A {offsets = [16, 0], sizes = [16, 4096], strides = [1, 1]} : vector<32x4096xf32> to vector<16x4096xf32>
    %slice3A_15 = vector.extract_strided_slice %select_n3A {offsets = [16, 0], sizes = [16, 4096], strides = [1, 1]} : vector<32x4096xi32> to vector<16x4096xi32>
    %slice3A_16 = vector.extract_strided_slice %min3A {offsets = [16, 0], sizes = [16, 4096], strides = [1, 1]} : vector<32x4096xf32> to vector<16x4096xf32>
    %slice3A_17 = vector.extract_strided_slice %select_n3A_9 {offsets = [16, 0], sizes = [16, 4096], strides = [1, 1]} : vector<32x4096xi32> to vector<16x4096xi32>
    %gt3A = arith.cmpf ogt, %slice3A_10, %slice3A_14 : vector<16x4096xf32>
    %eq3A = arith.cmpf oeq, %slice3A_10, %slice3A_14 : vector<16x4096xf32>
    %lt3A = arith.cmpi slt, %slice3A_11, %slice3A_15 : vector<16x4096xi32>
    %and3A = arith.andi %eq3A, %lt3A : vector<16x4096xi1>
    %or3A = arith.ori %gt3A, %and3A : vector<16x4096xi1>
    %select_n3A_18 = arith.select %or3A, %slice3A_10, %slice3A_14 : vector<16x4096xi1>, vector<16x4096xf32>
    %select_n3A_19 = arith.select %or3A, %slice3A_11, %slice3A_15 : vector<16x4096xi1>, vector<16x4096xi32>
    %gt3A_20 = arith.cmpf ogt, %slice3A_12, %slice3A_14 : vector<16x4096xf32>
    %eq3A_21 = arith.cmpf oeq, %slice3A_12, %slice3A_14 : vector<16x4096xf32>
    %lt3A_22 = arith.cmpi slt, %slice3A_13, %slice3A_15 : vector<16x4096xi32>
    %and3A_23 = arith.andi %eq3A_21, %lt3A_22 : vector<16x4096xi1>
    %or3A_24 = arith.ori %gt3A_20, %and3A_23 : vector<16x4096xi1>
    %gt3A_25 = arith.cmpf ogt, %slice3A_10, %slice3A_16 : vector<16x4096xf32>
    %eq3A_26 = arith.cmpf oeq, %slice3A_10, %slice3A_16 : vector<16x4096xf32>
    %lt3A_27 = arith.cmpi slt, %slice3A_11, %slice3A_17 : vector<16x4096xi32>
    %and3A_28 = arith.andi %eq3A_26, %lt3A_27 : vector<16x4096xi1>
    %or3A_29 = arith.ori %gt3A_25, %and3A_28 : vector<16x4096xi1>
    %select_n3A_30 = arith.select %or3A_24, %slice3A_12, %slice3A_14 : vector<16x4096xi1>, vector<16x4096xf32>
    %select_n3A_31 = arith.select %or3A_29, %slice3A_10, %slice3A_16 : vector<16x4096xi1>, vector<16x4096xf32>
    %select_n3A_32 = arith.select %or3A, %select_n3A_30, %select_n3A_31 : vector<16x4096xi1>, vector<16x4096xf32>
    %select_n3A_33 = arith.select %or3A_24, %slice3A_13, %slice3A_15 : vector<16x4096xi1>, vector<16x4096xi32>
    %select_n3A_34 = arith.select %or3A_29, %slice3A_11, %slice3A_17 : vector<16x4096xi1>, vector<16x4096xi32>
    %select_n3A_35 = arith.select %or3A, %select_n3A_33, %select_n3A_34 : vector<16x4096xi1>, vector<16x4096xi32>
    %slice3A_36 = vector.extract_strided_slice %select_n3A_18 {offsets = [0, 0], sizes = [8, 4096], strides = [1, 1]} : vector<16x4096xf32> to vector<8x4096xf32>
    %slice3A_37 = vector.extract_strided_slice %select_n3A_19 {offsets = [0, 0], sizes = [8, 4096], strides = [1, 1]} : vector<16x4096xi32> to vector<8x4096xi32>
    %slice3A_38 = vector.extract_strided_slice %select_n3A_32 {offsets = [0, 0], sizes = [8, 4096], strides = [1, 1]} : vector<16x4096xf32> to vector<8x4096xf32>
    %slice3A_39 = vector.extract_strided_slice %select_n3A_35 {offsets = [0, 0], sizes = [8, 4096], strides = [1, 1]} : vector<16x4096xi32> to vector<8x4096xi32>
    %slice3A_40 = vector.extract_strided_slice %select_n3A_18 {offsets = [8, 0], sizes = [8, 4096], strides = [1, 1]} : vector<16x4096xf32> to vector<8x4096xf32>
    %slice3A_41 = vector.extract_strided_slice %select_n3A_19 {offsets = [8, 0], sizes = [8, 4096], strides = [1, 1]} : vector<16x4096xi32> to vector<8x4096xi32>
    %slice3A_42 = vector.extract_strided_slice %select_n3A_32 {offsets = [8, 0], sizes = [8, 4096], strides = [1, 1]} : vector<16x4096xf32> to vector<8x4096xf32>
    %slice3A_43 = vector.extract_strided_slice %select_n3A_35 {offsets = [8, 0], sizes = [8, 4096], strides = [1, 1]} : vector<16x4096xi32> to vector<8x4096xi32>
    %gt3A_44 = arith.cmpf ogt, %slice3A_36, %slice3A_40 : vector<8x4096xf32>
    %eq3A_45 = arith.cmpf oeq, %slice3A_36, %slice3A_40 : vector<8x4096xf32>
    %lt3A_46 = arith.cmpi slt, %slice3A_37, %slice3A_41 : vector<8x4096xi32>
    %and3A_47 = arith.andi %eq3A_45, %lt3A_46 : vector<8x4096xi1>
    %or3A_48 = arith.ori %gt3A_44, %and3A_47 : vector<8x4096xi1>
    %select_n3A_49 = arith.select %or3A_48, %slice3A_36, %slice3A_40 : vector<8x4096xi1>, vector<8x4096xf32>
    %select_n3A_50 = arith.select %or3A_48, %slice3A_37, %slice3A_41 : vector<8x4096xi1>, vector<8x4096xi32>
    %gt3A_51 = arith.cmpf ogt, %slice3A_38, %slice3A_40 : vector<8x4096xf32>
    %eq3A_52 = arith.cmpf oeq, %slice3A_38, %slice3A_40 : vector<8x4096xf32>
    %lt3A_53 = arith.cmpi slt, %slice3A_39, %slice3A_41 : vector<8x4096xi32>
    %and3A_54 = arith.andi %eq3A_52, %lt3A_53 : vector<8x4096xi1>
    %or3A_55 = arith.ori %gt3A_51, %and3A_54 : vector<8x4096xi1>
    %gt3A_56 = arith.cmpf ogt, %slice3A_36, %slice3A_42 : vector<8x4096xf32>
    %eq3A_57 = arith.cmpf oeq, %slice3A_36, %slice3A_42 : vector<8x4096xf32>
    %lt3A_58 = arith.cmpi slt, %slice3A_37, %slice3A_43 : vector<8x4096xi32>
    %and3A_59 = arith.andi %eq3A_57, %lt3A_58 : vector<8x4096xi1>
    %or3A_60 = arith.ori %gt3A_56, %and3A_59 : vector<8x4096xi1>
    %select_n3A_61 = arith.select %or3A_55, %slice3A_38, %slice3A_40 : vector<8x4096xi1>, vector<8x4096xf32>
    %select_n3A_62 = arith.select %or3A_60, %slice3A_36, %slice3A_42 : vector<8x4096xi1>, vector<8x4096xf32>
    %select_n3A_63 = arith.select %or3A_48, %select_n3A_61, %select_n3A_62 : vector<8x4096xi1>, vector<8x4096xf32>
    %select_n3A_64 = arith.select %or3A_55, %slice3A_39, %slice3A_41 : vector<8x4096xi1>, vector<8x4096xi32>
    %select_n3A_65 = arith.select %or3A_60, %slice3A_37, %slice3A_43 : vector<8x4096xi1>, vector<8x4096xi32>
    %select_n3A_66 = arith.select %or3A_48, %select_n3A_64, %select_n3A_65 : vector<8x4096xi1>, vector<8x4096xi32>
    %slice3A_67 = vector.extract_strided_slice %select_n3A_49 {offsets = [0, 0], sizes = [4, 4096], strides = [1, 1]} : vector<8x4096xf32> to vector<4x4096xf32>
    %slice3A_68 = vector.extract_strided_slice %select_n3A_50 {offsets = [0, 0], sizes = [4, 4096], strides = [1, 1]} : vector<8x4096xi32> to vector<4x4096xi32>
    %slice3A_69 = vector.extract_strided_slice %select_n3A_63 {offsets = [0, 0], sizes = [4, 4096], strides = [1, 1]} : vector<8x4096xf32> to vector<4x4096xf32>
    %slice3A_70 = vector.extract_strided_slice %select_n3A_66 {offsets = [0, 0], sizes = [4, 4096], strides = [1, 1]} : vector<8x4096xi32> to vector<4x4096xi32>
    %slice3A_71 = vector.extract_strided_slice %select_n3A_49 {offsets = [4, 0], sizes = [4, 4096], strides = [1, 1]} : vector<8x4096xf32> to vector<4x4096xf32>
    %slice3A_72 = vector.extract_strided_slice %select_n3A_50 {offsets = [4, 0], sizes = [4, 4096], strides = [1, 1]} : vector<8x4096xi32> to vector<4x4096xi32>
    %slice3A_73 = vector.extract_strided_slice %select_n3A_63 {offsets = [4, 0], sizes = [4, 4096], strides = [1, 1]} : vector<8x4096xf32> to vector<4x4096xf32>
    %slice3A_74 = vector.extract_strided_slice %select_n3A_66 {offsets = [4, 0], sizes = [4, 4096], strides = [1, 1]} : vector<8x4096xi32> to vector<4x4096xi32>
    %gt3A_75 = arith.cmpf ogt, %slice3A_67, %slice3A_71 : vector<4x4096xf32>
    %eq3A_76 = arith.cmpf oeq, %slice3A_67, %slice3A_71 : vector<4x4096xf32>
    %lt3A_77 = arith.cmpi slt, %slice3A_68, %slice3A_72 : vector<4x4096xi32>
    %and3A_78 = arith.andi %eq3A_76, %lt3A_77 : vector<4x4096xi1>
    %or3A_79 = arith.ori %gt3A_75, %and3A_78 : vector<4x4096xi1>
    %select_n3A_80 = arith.select %or3A_79, %slice3A_67, %slice3A_71 : vector<4x4096xi1>, vector<4x4096xf32>
    %select_n3A_81 = arith.select %or3A_79, %slice3A_68, %slice3A_72 : vector<4x4096xi1>, vector<4x4096xi32>
    %gt3A_82 = arith.cmpf ogt, %slice3A_69, %slice3A_71 : vector<4x4096xf32>
    %eq3A_83 = arith.cmpf oeq, %slice3A_69, %slice3A_71 : vector<4x4096xf32>
    %lt3A_84 = arith.cmpi slt, %slice3A_70, %slice3A_72 : vector<4x4096xi32>
    %and3A_85 = arith.andi %eq3A_83, %lt3A_84 : vector<4x4096xi1>
    %or3A_86 = arith.ori %gt3A_82, %and3A_85 : vector<4x4096xi1>
    %gt3A_87 = arith.cmpf ogt, %slice3A_67, %slice3A_73 : vector<4x4096xf32>
    %eq3A_88 = arith.cmpf oeq, %slice3A_67, %slice3A_73 : vector<4x4096xf32>
    %lt3A_89 = arith.cmpi slt, %slice3A_68, %slice3A_74 : vector<4x4096xi32>
    %and3A_90 = arith.andi %eq3A_88, %lt3A_89 : vector<4x4096xi1>
    %or3A_91 = arith.ori %gt3A_87, %and3A_90 : vector<4x4096xi1>
    %select_n3A_92 = arith.select %or3A_86, %slice3A_69, %slice3A_71 : vector<4x4096xi1>, vector<4x4096xf32>
    %select_n3A_93 = arith.select %or3A_91, %slice3A_67, %slice3A_73 : vector<4x4096xi1>, vector<4x4096xf32>
    %select_n3A_94 = arith.select %or3A_79, %select_n3A_92, %select_n3A_93 : vector<4x4096xi1>, vector<4x4096xf32>
    %select_n3A_95 = arith.select %or3A_86, %slice3A_70, %slice3A_72 : vector<4x4096xi1>, vector<4x4096xi32>
    %select_n3A_96 = arith.select %or3A_91, %slice3A_68, %slice3A_74 : vector<4x4096xi1>, vector<4x4096xi32>
    %select_n3A_97 = arith.select %or3A_79, %select_n3A_95, %select_n3A_96 : vector<4x4096xi1>, vector<4x4096xi32>
    %slice3A_98 = vector.extract_strided_slice %select_n3A_80 {offsets = [0, 0], sizes = [2, 4096], strides = [1, 1]} : vector<4x4096xf32> to vector<2x4096xf32>
    %slice3A_99 = vector.extract_strided_slice %select_n3A_81 {offsets = [0, 0], sizes = [2, 4096], strides = [1, 1]} : vector<4x4096xi32> to vector<2x4096xi32>
    %slice3A_100 = vector.extract_strided_slice %select_n3A_94 {offsets = [0, 0], sizes = [2, 4096], strides = [1, 1]} : vector<4x4096xf32> to vector<2x4096xf32>
    %slice3A_101 = vector.extract_strided_slice %select_n3A_97 {offsets = [0, 0], sizes = [2, 4096], strides = [1, 1]} : vector<4x4096xi32> to vector<2x4096xi32>
    %slice3A_102 = vector.extract_strided_slice %select_n3A_80 {offsets = [2, 0], sizes = [2, 4096], strides = [1, 1]} : vector<4x4096xf32> to vector<2x4096xf32>
    %slice3A_103 = vector.extract_strided_slice %select_n3A_81 {offsets = [2, 0], sizes = [2, 4096], strides = [1, 1]} : vector<4x4096xi32> to vector<2x4096xi32>
    %slice3A_104 = vector.extract_strided_slice %select_n3A_94 {offsets = [2, 0], sizes = [2, 4096], strides = [1, 1]} : vector<4x4096xf32> to vector<2x4096xf32>
    %slice3A_105 = vector.extract_strided_slice %select_n3A_97 {offsets = [2, 0], sizes = [2, 4096], strides = [1, 1]} : vector<4x4096xi32> to vector<2x4096xi32>
    %gt3A_106 = arith.cmpf ogt, %slice3A_98, %slice3A_102 : vector<2x4096xf32>
    %eq3A_107 = arith.cmpf oeq, %slice3A_98, %slice3A_102 : vector<2x4096xf32>
    %lt3A_108 = arith.cmpi slt, %slice3A_99, %slice3A_103 : vector<2x4096xi32>
    %and3A_109 = arith.andi %eq3A_107, %lt3A_108 : vector<2x4096xi1>
    %or3A_110 = arith.ori %gt3A_106, %and3A_109 : vector<2x4096xi1>
    %select_n3A_111 = arith.select %or3A_110, %slice3A_98, %slice3A_102 : vector<2x4096xi1>, vector<2x4096xf32>
    %select_n3A_112 = arith.select %or3A_110, %slice3A_99, %slice3A_103 : vector<2x4096xi1>, vector<2x4096xi32>
    %gt3A_113 = arith.cmpf ogt, %slice3A_100, %slice3A_102 : vector<2x4096xf32>
    %eq3A_114 = arith.cmpf oeq, %slice3A_100, %slice3A_102 : vector<2x4096xf32>
    %lt3A_115 = arith.cmpi slt, %slice3A_101, %slice3A_103 : vector<2x4096xi32>
    %and3A_116 = arith.andi %eq3A_114, %lt3A_115 : vector<2x4096xi1>
    %or3A_117 = arith.ori %gt3A_113, %and3A_116 : vector<2x4096xi1>
    %gt3A_118 = arith.cmpf ogt, %slice3A_98, %slice3A_104 : vector<2x4096xf32>
    %eq3A_119 = arith.cmpf oeq, %slice3A_98, %slice3A_104 : vector<2x4096xf32>
    %lt3A_120 = arith.cmpi slt, %slice3A_99, %slice3A_105 : vector<2x4096xi32>
    %and3A_121 = arith.andi %eq3A_119, %lt3A_120 : vector<2x4096xi1>
    %or3A_122 = arith.ori %gt3A_118, %and3A_121 : vector<2x4096xi1>
    %select_n3A_123 = arith.select %or3A_117, %slice3A_100, %slice3A_102 : vector<2x4096xi1>, vector<2x4096xf32>
    %select_n3A_124 = arith.select %or3A_122, %slice3A_98, %slice3A_104 : vector<2x4096xi1>, vector<2x4096xf32>
    %select_n3A_125 = arith.select %or3A_110, %select_n3A_123, %select_n3A_124 : vector<2x4096xi1>, vector<2x4096xf32>
    %select_n3A_126 = arith.select %or3A_117, %slice3A_101, %slice3A_103 : vector<2x4096xi1>, vector<2x4096xi32>
    %select_n3A_127 = arith.select %or3A_122, %slice3A_99, %slice3A_105 : vector<2x4096xi1>, vector<2x4096xi32>
    %select_n3A_128 = arith.select %or3A_110, %select_n3A_126, %select_n3A_127 : vector<2x4096xi1>, vector<2x4096xi32>
    %slice3A_129 = vector.extract_strided_slice %select_n3A_111 {offsets = [0, 0], sizes = [1, 4096], strides = [1, 1]} : vector<2x4096xf32> to vector<1x4096xf32>
    %slice3A_130 = vector.extract_strided_slice %select_n3A_112 {offsets = [0, 0], sizes = [1, 4096], strides = [1, 1]} : vector<2x4096xi32> to vector<1x4096xi32>
    %slice3A_131 = vector.extract_strided_slice %select_n3A_125 {offsets = [0, 0], sizes = [1, 4096], strides = [1, 1]} : vector<2x4096xf32> to vector<1x4096xf32>
    %slice3A_132 = vector.extract_strided_slice %select_n3A_128 {offsets = [0, 0], sizes = [1, 4096], strides = [1, 1]} : vector<2x4096xi32> to vector<1x4096xi32>
    %slice3A_133 = vector.extract_strided_slice %select_n3A_111 {offsets = [1, 0], sizes = [1, 4096], strides = [1, 1]} : vector<2x4096xf32> to vector<1x4096xf32>
    %slice3A_134 = vector.extract_strided_slice %select_n3A_112 {offsets = [1, 0], sizes = [1, 4096], strides = [1, 1]} : vector<2x4096xi32> to vector<1x4096xi32>
    %slice3A_135 = vector.extract_strided_slice %select_n3A_125 {offsets = [1, 0], sizes = [1, 4096], strides = [1, 1]} : vector<2x4096xf32> to vector<1x4096xf32>
    %slice3A_136 = vector.extract_strided_slice %select_n3A_128 {offsets = [1, 0], sizes = [1, 4096], strides = [1, 1]} : vector<2x4096xi32> to vector<1x4096xi32>
    %gt3A_137 = arith.cmpf ogt, %slice3A_129, %slice3A_133 : vector<1x4096xf32>
    %eq3A_138 = arith.cmpf oeq, %slice3A_129, %slice3A_133 : vector<1x4096xf32>
    %lt3A_139 = arith.cmpi slt, %slice3A_130, %slice3A_134 : vector<1x4096xi32>
    %and3A_140 = arith.andi %eq3A_138, %lt3A_139 : vector<1x4096xi1>
    %or3A_141 = arith.ori %gt3A_137, %and3A_140 : vector<1x4096xi1>
    %select_n3A_142 = arith.select %or3A_141, %slice3A_129, %slice3A_133 : vector<1x4096xi1>, vector<1x4096xf32>
    %select_n3A_143 = arith.select %or3A_141, %slice3A_130, %slice3A_134 : vector<1x4096xi1>, vector<1x4096xi32>
    %gt3A_144 = arith.cmpf ogt, %slice3A_131, %slice3A_133 : vector<1x4096xf32>
    %eq3A_145 = arith.cmpf oeq, %slice3A_131, %slice3A_133 : vector<1x4096xf32>
    %lt3A_146 = arith.cmpi slt, %slice3A_132, %slice3A_134 : vector<1x4096xi32>
    %and3A_147 = arith.andi %eq3A_145, %lt3A_146 : vector<1x4096xi1>
    %or3A_148 = arith.ori %gt3A_144, %and3A_147 : vector<1x4096xi1>
    %gt3A_149 = arith.cmpf ogt, %slice3A_129, %slice3A_135 : vector<1x4096xf32>
    %eq3A_150 = arith.cmpf oeq, %slice3A_129, %slice3A_135 : vector<1x4096xf32>
    %lt3A_151 = arith.cmpi slt, %slice3A_130, %slice3A_136 : vector<1x4096xi32>
    %and3A_152 = arith.andi %eq3A_150, %lt3A_151 : vector<1x4096xi1>
    %or3A_153 = arith.ori %gt3A_149, %and3A_152 : vector<1x4096xi1>
    %select_n3A_154 = arith.select %or3A_148, %slice3A_131, %slice3A_133 : vector<1x4096xi1>, vector<1x4096xf32>
    %select_n3A_155 = arith.select %or3A_153, %slice3A_129, %slice3A_135 : vector<1x4096xi1>, vector<1x4096xf32>
    %select_n3A_156 = arith.select %or3A_141, %select_n3A_154, %select_n3A_155 : vector<1x4096xi1>, vector<1x4096xf32>
    %select_n3A_157 = arith.select %or3A_148, %slice3A_132, %slice3A_134 : vector<1x4096xi1>, vector<1x4096xi32>
    %select_n3A_158 = arith.select %or3A_153, %slice3A_130, %slice3A_136 : vector<1x4096xi1>, vector<1x4096xi32>
    %select_n3A_159 = arith.select %or3A_141, %select_n3A_157, %select_n3A_158 : vector<1x4096xi1>, vector<1x4096xi32>
    %shift_left3A = arith.constant 8 : i32
    %shift_left3A_160 = vector.broadcast %shift_left3A : i32 to vector<1x4096xi32>
    %shift_left3A_161 = arith.shli %select_n3A_159, %shift_left3A_160 : vector<1x4096xi32>
    %or3A_162 = arith.ori %select_n3A_143, %shift_left3A_161 : vector<1x4096xi32>
    %convert_element_type3A = arith.sitofp %or3A_162 : vector<1x4096xi32> to vector<1x4096xf32>
    %concatenate3A = tpu.concatenate %select_n3A_142, %select_n3A_156, %convert_element_type3A in 0 : vector<1x4096xf32>, vector<1x4096xf32>, vector<1x4096xf32> -> vector<3x4096xf32>
    %swap3A = arith.constant 0 : index
    %swap3A_163 = arith.constant 0 : index
    %swap3A_164 = vector.load %arg3[%swap3A, %swap3A_163] : memref<3x4096xf32, #tpu.memory_space<vmem>>, vector<3x4096xf32>
    tpu.vector_store %arg3[%swap3A, %swap3A_163], %concatenate3A {strides = array<i32>} : memref<3x4096xf32, #tpu.memory_space<vmem>>, vector<3x4096xf32>,
    return
  }
  func.func @transform_0(%arg0: i32) -> (i32, i32) {
    %c0_i32 = arith.constant 0 : i32
    %c0_i32_0 = arith.constant 0 : i32
    return %arg0, %c0_i32 : i32, i32
  }
  func.func @transform_1(%arg0: i32) -> (i32, i32) {
    %c0_i32 = arith.constant 0 : i32
    %c0_i32_0 = arith.constant 0 : i32
    %c0_i32_1 = arith.constant 0 : i32
    return %c0_i32, %c0_i32_0 : i32, i32
  }
  func.func @transform_2(%arg0: i32) -> (i32, i32) {
    %c0_i32 = arith.constant 0 : i32
    %c0_i32_0 = arith.constant 0 : i32
    return %c0_i32, %arg0 : i32, i32
  }
}

</mosaic_0001>

<sc_bundles>
// kernel: kernel.4.cloned.1.call-start
scs
__scs_entry_jumppad:
0x0: {  	(pc) =	sbr.rel $0x88, $3  }
0x1: {  	(tag) =	ssettag $0x0;
	lr =	simm.s32 $0x1  }
0x2: {  	[smem:$0x3F9F] =	sst lr;
	_ =	strace $0xD0000000  }
0x3: {  	_ = 	snop  }
0x4: {  	_ = 	snop  }
0x5: {  	_ = 	snop  }
0x6: {  	_ = 	snop  }
0x7: {  	_ = 	snop  }
__scs_overlays_trampoline_lowered:
0x8: {  	[smem:$0x3FAE] =	sst s0  }
0x9: {  	[smem:$0x3FAF] =	sst s1  }
0xa: {  	[smem:$0x3FB0] =	sst s2  }
0xb: {  	[smem:$0x3FB1] =	sst s3  }
0xc: {  	[smem:$0x3FB2] =	sst s4  }
0xd: {  	[smem:$0x3FB3] =	sst s5  }
0xe: {  	[smem:$0x3FB4] =	sst s6  }
0xf: {  	[smem:$0x3FB5] =	sst s7  }
0x10: {  	[smem:$0x3FB6] =	sst s8  }
0x11: {  	[smem:$0x3FB7] =	sst s9;
	s0 =	simm.s32 @!p0 $0x0  }
0x12: {  	s1 =	sld [smem:$0x3F9D];
	s0 =	simm.s32 @p0 $0x1  }
0x13: {  	[smem:$0x3FB8] =	sst s0;
	s0 =	simm.s32 @!p1 $0x0  }
0x14: {  	s2 =	sld [smem:$0x3F9C];
	s0 =	simm.s32 @p1 $0x1  }
0x15: {  	[smem:$0x3FB9] =	sst s0;
	s0 =	simm.s32 @!p2 $0x0  }
0x16: {  	s3 =	sld [smem:$0x3FDB];
	s0 =	simm.s32 @p2 $0x1  }
0x17: {  	s4 =	simm.s32 $0x1BF5;
	[smem:$0x3FBB] =	sst s0  }
0x18: {  	s0 =	sld [smem:$0x3F9E];
	_ =	swait.ge [sflag:s4], $0x0  }
0x19: {  	s7 =	sld [smem:$0x3F9F]  }
0x1a: {  	s8 =	sadd.s32 $0xFFFFE003, lr  }
0x1b: {  	s9 =	sadd.s32 $0xFFFFFEF7, lr;
	s5 =	simm.s32 $0xFFFFFFFF;
	p2 =	slt.u32 s8, $0xFFFFF086  }
0x1c: {  	p1 =	slt.u32 s9, $0xF7A;
	s5 =	simm.s32 @!p2 $0x0  }
0x1d: {  	s5 =	simm.s32 @p1 $0x1;
	p0 =	seq.s32 s7, s2  }
0x1e: {  	s7 =	smul.u32 @!p0 $0xF7A, s2;
	p2 =	seq.s32 @!p0 s5, $0x0  }
0x1f: {  	s9 =	smul.u32 $0xF7A, s1;
	s8 =	simm.s32 @!p0 $0x1BF5;
	p2 =	por !p2, p0  }
0x20: {  	[sflag:s8] =	ssyncset.s32 @!p0 $0xFFFFF086;
	s6 =	sadd.s32 @!p0 s3, s7;
	s7 =	simm.s32 @!p0 $0x108  }
0x21: {  	s3 =	sadd.s32 s3, s9;
	s6 =	sadd.s32 @!p0 $0x88, s6;
	s7 =	simm.s32 @p2 $0x1082  }
0x22: {  	[simem:s7], [sflag:s8] =	dma.local @!p0 [hbm:s6], $0xF7A  }
0x23: {  	s9 =	sor.u32 $0xD0000000, s2;
	s6 =	simm.s32 $0x108;
	_ =	swait.ge @!p0 [sflag:s8], $0x0  }
0x24: {  	s3 =	sadd.s32 $0x88, s3;
	s6 =	simm.s32 @!p1 $0x1082;
	[sflag:s4] =	ssyncset.s32 $0xFFFFF086  }
0x25: {  	[simem:s6], [sflag:s4] =	dma.local [hbm:s3], $0xF7A  }
0x26: {  	[smem:$0x3F9F] =	sst s1;
	(tag) =	ssettag s2;
	_ =	strace s9  }
0x27: {  	s1 =	sld [smem:$0x3FAF]  }
0x28: {  	s2 =	sld [smem:$0x3FB0]  }
0x29: {  	s4 =	sld [smem:$0x3FB2]  }
0x2a: {  	p0 =	seq.s32 s5, $0x0;
	s5 =	sld [smem:$0x3FB3]  }
0x2b: {  	s6 =	sld [smem:$0x3FB4]  }
0x2c: {  	s7 =	sld [smem:$0x3FB5]  }
0x2d: {  	s3 =	simm.s32 $0x108;
	s8 =	sld [smem:$0x3FB6]  }
0x2e: {  	s3 =	simm.s32 @!p0 $0x1082;
	s9 =	sld [smem:$0x3FB7]  }
0x2f: {  	lr =	sadd.s32 s0, s3;
	s0 =	sld [smem:$0x3FAE]  }
0x30: {  	s3 =	sld [smem:$0x3FB1]  }
0x31: {  	[smem:$0x3FBA] =	sst s10  }
0x32: {  	s10 =	sld [smem:$0x3FB8];
	_ =	sdelay $0x3  }
0x33: {  	p0 =	seq.s32 s10, $0x1;
	s10 =	sld [smem:$0x3FBA];
	_ =	sdelay $0x3  }
0x34: {  	[smem:$0x3FBA] =	sst s10  }
0x35: {  	s10 =	sld [smem:$0x3FB9];
	_ =	sdelay $0x3  }
0x36: {  	p1 =	seq.s32 s10, $0x1;
	s10 =	sld [smem:$0x3FBA];
	_ =	sdelay $0x3  }
0x37: {  	[smem:$0x3FBA] =	sst s10  }
0x38: {  	s10 =	sld [smem:$0x3FBB]  }
0x39: {  	_ = 	snop;
	(pc) =	sbr.ind lr, $3  }
0x3a: {  	_ = 	snop  }
0x3b: {  	_ = 	snop  }
0x3c: {  	p2 =	seq.s32 s10, $0x1;
	s10 =	sld [smem:$0x3FBA]  }
0x3d: {  	_ =	shalt  }
0x3e: {  	_ =	shalt  }
0x3f: {  	_ =	shalt  }
0x40: {  	_ =	shalt  }
0x41: {  	_ =	shalt  }
0x42: {  	_ =	shalt  }
0x43: {  	_ =	shalt  }
0x44: {  	_ =	shalt  }
0x45: {  	_ =	shalt  }
0x46: {  	_ =	shalt  }
0x47: {  	_ =	shalt  }
0x48: {  	_ =	shalt  }
0x49: {  	_ =	shalt  }
0x4a: {  	_ =	shalt  }
0x4b: {  	_ =	shalt  }
0x4c: {  	_ =	shalt  }
0x4d: {  	_ =	shalt  }
0x4e: {  	_ =	shalt  }
0x4f: {  	_ =	shalt  }
0x50: {  	_ =	shalt  }
0x51: {  	_ =	shalt  }
0x52: {  	_ =	shalt  }
0x53: {  	_ =	shalt  }
0x54: {  	_ =	shalt  }
0x55: {  	_ =	shalt  }
0x56: {  	_ =	shalt  }
0x57: {  	_ =	shalt  }
0x58: {  	_ =	shalt  }
0x59: {  	_ =	shalt  }
0x5a: {  	_ =	shalt  }
0x5b: {  	_ =	shalt  }
0x5c: {  	_ =	shalt  }
0x5d: {  	_ =	shalt  }
0x5e: {  	_ =	shalt  }
0x5f: {  	_ =	shalt  }
0x60: {  	_ =	shalt  }
0x61: {  	_ =	shalt  }
0x62: {  	_ =	shalt  }
0x63: {  	_ =	shalt  }
0x64: {  	_ =	shalt  }
0x65: {  	_ =	shalt  }
0x66: {  	_ =	shalt  }
0x67: {  	_ =	shalt  }
0x68: {  	_ =	shalt  }
0x69: {  	_ =	shalt  }
0x6a: {  	_ =	shalt  }
0x6b: {  	_ =	shalt  }
0x6c: {  	_ =	shalt  }
0x6d: {  	_ =	shalt  }
0x6e: {  	_ =	shalt  }
0x6f: {  	_ =	shalt  }
0x70: {  	_ =	shalt  }
0x71: {  	_ =	shalt  }
0x72: {  	_ =	shalt  }
0x73: {  	_ =	shalt  }
0x74: {  	_ =	shalt  }
0x75: {  	_ =	shalt  }
0x76: {  	_ =	shalt  }
0x77: {  	_ =	shalt  }
0x78: {  	_ =	shalt  }
0x79: {  	_ =	shalt  }
0x7a: {  	_ =	shalt  }
0x7b: {  	_ =	shalt  }
0x7c: {  	_ =	shalt  }
0x7d: {  	_ =	shalt  }
0x7e: {  	_ =	shalt  }
0x7f: {  	_ =	shalt  }
0x80: {  	_ =	shalt  }
0x81: {  	_ =	shalt  }
0x82: {  	_ =	shalt  }
0x83: {  	_ =	shalt  }
0x84: {  	_ =	shalt  }
0x85: {  	_ =	shalt  }
0x86: {  	_ =	shalt  }
0x87: {  	_ =	shalt  }
.Lfunc_end0:
.L_simem_size_0:
called_computation_lowered:
.L_overlay_start_0:
0x88: {  	s2 =	sld [smem:$0x3FD9]  }
0x89: {  	s3 =	sld [smem:$0x3FFE];
	_ =	sdelay $0x1  }
0x8a: {  	s1 =	srdreg.scid  }
0x8b: {  	s0 =	sand.u32 $0x1, s1  }
0x8c: {  	s16 =	sshll.u32 s0, $0xA;
	s2 =	sadd.s32 s3, s2  }
0x8d: {  	s2 =	sadd.s32 s2, s16  }
0x8e: {  	[smem:$0x3FC6] =	sst s2  }
0x8f: {  	_ = 	snop  }
0x90: {  	(tm) =	ssettm $0x1  }
0x91: {  	s17 =	sld [smem:$0x3FFB];
	_ =	sdelay $0x3  }
0x92: {  	_ =	strace s17  }
0x93: {  	s2 =	sld [smem:$0x3FFC];
	_ =	sdelay $0x3  }
0x94: {  	_ =	strace s2  }
0x95: {  	s2 =	sld [smem:$0x3FFD];
	_ =	sdelay $0x3  }
0x96: {  	_ =	strace s2  }
0x97: {  	_ =	strace $0x8FFFFFFF  }
0x98: {  	s18 =	sld [smem:$0x3FDB];
	_ =	sdelay $0x1  }
0x99: {  	s19 =	simm.s32 $_scs_section_size  }
0x9a: {  	s4 =	simm.s32 $_size__tile_overlayer_lowered;
	s5 =	simm.s32 $_tile_overlayer_lowered  }
0x9b: {  	s22 =	simm.s32 $0x1BFF;
	s21 =	sshll.u32 s5, $0x1;
	s2 =	sadd.s32 s19, s18  }
0x9c: {  	s6 =	simm.s32 $0x0;
	s20 =	sshll.u32 s4, $0x1;
	s4 =	sadd.s32 s21, s2  }
0x9d: {  	[timem:s6], [sflag:s22] =	dma.local [hbm:s4], s20  }
0x9e: {  	_ =	swait.ge [sflag:s22], s20  }
0x9f: {  	s3 =	ssub.s32 $0x0, s20;
	[sflag:s22] =	ssyncset.done $0x0  }
0xa0: {  	[sflag:s22] =	ssyncadd.s32 s3;
	_ =	sdelay $0x1  }
0xa1: {  	s23 =	simm.s32 $0x1B8B  }
0xa2: {  	_ =	swait.ge [sflag:s23], $0x1  }
0xa3: {  	[sflag:s23] =	ssyncset.done $0x0  }
0xa4: {  	s25 =	simm.s32 $0x1B8E;
	s24 =	sld [smem:$0x3FFE];
	[sflag:s23] =	ssyncadd.s32 $0xFFFFFFFF  }
0xa5: {  	s26 =	simm.s32 $execute0_lowered;
	[smem:$0x3FD2] =	sst s25  }
0xa6: {  	s4 =	sshll.u32 s26, $0x1;
	_ =	strace $0x80000046;
	[dreg:$0x1] =	wrdreg $0xFFFFFFFF  }
0xa7: {  	s28 =	simm.s32 $_size_execute0_lowered;
	s2 =	sadd.s32 s2, s4;
	[dreg:$0x0] =	wrdreg $0x0  }
0xa8: {  	s4 =	sshll.u32 s28, $0x1;
	[dreg:$0x2] =	wrdreg s2  }
0xa9: {  	[dreg:$0x3] =	wrdreg s4  }
0xaa: {  	[dreg:$0x4] =	wrdreg $0xC0  }
0xab: {  	_ =	task [dreg:s6], $0x5FFFF  }
0xac: {  	[dreg:$0x1] =	wrdreg $0xFFFFFFFF  }
0xad: {  	[dreg:$0x0] =	wrdreg $0x60  }
0xae: {  	[dreg:$0x2] =	wrdreg s24  }
0xaf: {  	[dreg:$0x3] =	wrdreg $0x9  }
0xb0: {  	_ =	task.clear_ibuf [dreg:s6], $0x4FFFF;
	_ =	strace $0x90000046  }
0xb1: {  	s29 =	simm.s32 $0x9;
	_ =	strace $0x80000048  }
0xb2: {  	_ =	swait.ge [sflag:s29], $0x1  }
0xb3: {  	[sflag:s29] =	ssyncadd.s32 $0xFFFFFFFF  }
0xb4: {  	_ =	strace $0x90000048  }
0xb5: {  	_ =	sfence  }
0xb6: {  	s30 =	sld [smem:$0x0];
	_ =	sdelay $0x2  }
0xb7: {  	s31 =	sshll.u32 s1, $0xD;
	s1 =	sshrl.u32 s1, $0x2  }
0xb8: {  	s3 =	sand.u32 $0x4000, s31;
	s1 =	sadd.s32 s1, s30  }
0xb9: {  	s0 =	sor.u32 s3, s0;
	s1 =	sshll.u32 s1, $0x11  }
0xba: {  	s0 =	sor.u32 s1, s0  }
0xbb: {  	s0 =	sadd.s32 $0x8F2B, s0  }
0xbc: {  	[sflag:s0] =	ssyncadd.remote.s32 $0x1  }
0xbd: {  	_ =	sfence.sel $0xFFFF  }
0xbe: {  	[dreg:$0x0] =	wrdreg $0xFFFFFFFF;
	(pc) =	sbr.abs _section_cstart, $3  }
0xbf: {  	[dreg:$0x1] =	wrdreg $0xFFFFFFFF  }
0xc0: {  	_ =	task.clear_ibuf [dreg:s6], $0x2FFFF;
	_ =	strace $0x9FFFFFFF  }
0xc1: {  	(tm) =	ssettm $0x7FFFFFFF  }
tec
execute0_lowered:
.L_overlay_start_1:
0x0: {  	(tag) =	ssettag $0x1  }
0x1: {  	s0 =	srdreg.scid  }
0x2: {  	s3 =	rddreg [dreg:$0x0];
	s1 =	stileid.u32;
	s2 =	simm.s32 $0x0  }
0x3: {  	s7 =	simm.s32 $0x800;
	s8 =	simm.s32 $0x1;
	s9 =	simm.s32 $0x2  }
0x4: {  	s10 =	simm.s32 $0x1000;
	s11 =	simm.s32 $0x3;
	s4 =	sand.u32 $0x1, s0  }
0x5: {  	s12 =	simm.s32 $0x0;
	s5 =	sshll.u32 s1, $0xA;
	s6 =	sshll.u32 s4, $0x9  }
0x6: {  	s0 =	rddreg [dreg:$0x1];
	s4 =	ssub.s32 $0x2, s4;
	s5 =	sor.u32 s6, s5  }
0x7: {  	[smem:$0x7FF] =	sst s2;
	s30 =	sshrl.u32 s4, $0x1;
	s5 =	sadd.s32 s5, s3  }
0x8: {  	_ =	strace $0x80000047;
	s31 =	ssub.s32 s4, s30;
	s3 =	sadd.s32 $0xA00, s5  }
0x9: {  	s4 =	sadd.s32 $0xB00, s5;
	s5 =	sadd.s32 $0x4A00, s5;
	s6 =	smax.u32 s31, $0x1  }
.LBB2_1:
0xa: {  	[tilespmem:s2], [sflag:$0x1] =	stream.linear.gather [hbm4b:s3+s2], $0x800, $0x38;
	[tilespmem:$0x2000] =	vst v63  }
0xb: {  	_ = 	snop  }
0xc: {  	[tilespmem:s7], [sflag:$0x2] =	stream.linear.gather [hbm4b:s4+s2], $0x800, $0x38;
	[tilespmem:$0x2000] =	vst v63  }
0xd: {  	_ =	swait.ge [sflag:s8], $0x800  }
0xe: {  	s13 =	sand.u32 $0x70, s2;
	s14 =	sand.u32 $0x600, s2;
	[sflag:s8] =	ssyncset.done $0x0  }
0xf: {  	s13 =	sor.u32 s13, s14;
	[sflag:s8] =	ssyncadd.s32 $0xFFFFF800  }
0x10: {  	v0 =	vld [tilespmem:s13+$0x0]  }
0x11: {  	v1 =	vld [tilespmem:s13+$0x80]  }
0x12: {  	v2 =	vld [tilespmem:s13+$0x100];
	_ =	sdelay $0x1  }
0x13: {  	s26 =	simm.s32 $0x10;
	s15 =	simm.s32 $0x40  }
0x14: {  	s14 =	sand.u32 $0x70, s26;
	s15 =	sand.u32 $0x600, s15  }
0x15: {  	s14 =	sor.u32 s14, s15  }
0x16: {  	v0 =	vsub.f32 v1, v0;
	v1 =	vtrunc.f32 v2;
	v2 =	vld [tilespmem:s14+$0x100]  }
0x17: {  	v3 =	vld [tilespmem:s14+$0x0];
	v1 =	vcvt.f32.s32 v1  }
0x18: {  	s28 =	simm.s32 $0x20;
	s16 =	simm.s32 $0x80;
	v4 =	vld [tilespmem:s14+$0x80];
	v0 =	vmul.f32 $1.442695020e+00, v0  }
0x19: {  	s16 =	sand.u32 $0x600, s16;
	s15 =	sand.u32 $0x70, s28;
	v5 =	vand.u32 $0xFF, v1  }
0x1a: {  	s15 =	sor.u32 s15, s16;
	(erf) = vpow2.f32 v0;
	v0 =	vcvt.s32.f32 v5  }
0x1b: {  	v6 =	vld [tilespmem:s15+$0x80];
	v1 =	vshra.s32 v1, $0x8;
	v2 =	vtrunc.f32 v2  }
0x1c: {  	v5 =	vld [tilespmem:s15+$0x0];
	v1 =	vcvt.s32.f32 v1;
	[tilespmem:s13+$0x1000] =	vst v0;
	v0 =	vcvt.f32.s32 v2  }
0x1d: {  	s29 =	simm.s32 $0x30;
	s17 =	simm.s32 $0xC0;
	v2 =	vsub.f32 v4, v3;
	v3 =	vld [tilespmem:s15+$0x100]  }
0x1e: {  	s17 =	sand.u32 $0x600, s17;
	s16 =	sand.u32 $0x70, s29;
	[tilespmem:s13+$0x1080] =	vst v1;
	v1 =	vand.u32 $0xFF, v0  }
0x1f: {  	s16 =	sor.u32 s16, s17;
	v1 =	vcvt.s32.f32 v1  }
0x20: {  	v4 =	vld [tilespmem:s16+$0x0]  }
0x21: {  	v2 =	vmul.f32 $1.442695020e+00, v2;
	v7 =	vld [tilespmem:s16+$0x80];
	[tilespmem:s14+$0x1000] =	vst v1  }
0x22: {  	v1 =	vtrunc.f32 v3;
	v3 =	vld [tilespmem:s16+$0x100]  }
0x23: {  	v0 =	vshra.s32 v0, $0x8;
	(erf) = vpow2.f32 v2;
	v2 =	vsub.f32 v6, v5  }
0x24: {  	v0 =	vcvt.s32.f32 v0  }
0x25: {  	v2 =	vmul.f32 $1.442695020e+00, v2;
	v1 =	vcvt.f32.s32 v1  }
0x26: {  	s30 =	simm.s32 $0x40;
	s18 =	simm.s32 $0x100  }
0x27: {  	s18 =	sand.u32 $0x600, s18;
	s17 =	sand.u32 $0x70, s30;
	[tilespmem:s14+$0x1080] =	vst v0;
	v6 =	vpop (erf);
	(erf) = vpow2.f32 v2;
	v0 =	vand.u32 $0xFF, v1;
	v2 =	vtrunc.f32 v3  }
0x28: {  	s17 =	sor.u32 s17, s18;
	v5 =	vadd.f32 $1.000000000e+00, v6;
	v0 =	vcvt.s32.f32 v0;
	v3 =	vcvt.f32.s32 v2  }
0x29: {  	v8 =	vld [tilespmem:s17+$0x80]  }
0x2a: {  	v1 =	vshra.s32 v1, $0x8;
	(erf) = vrcp.f32 v5;
	v5 =	vld [tilespmem:s17+$0x0];
	[tilespmem:s15+$0x1000] =	vst v0;
	v0 =	vand.u32 $0xFF, v3  }
0x2b: {  	v4 =	vsub.f32 v7, v4;
	v1 =	vcvt.s32.f32 v1;
	_ =	sdelay $0x1  }
0x2c: {  	v7 =	vmul.f32 $1.442695020e+00, v4;
	v9 =	vld [tilespmem:s17+$0x100];
	[tilespmem:s15+$0x1080] =	vst v1;
	v1 =	vcvt.s32.f32 v0;
	v0 =	vpop (erf)  }
0x2d: {  	s31 =	simm.s32 $0x50;
	s19 =	simm.s32 $0x140;
	v10 =	vadd.f32 $1.000000000e+00, v0  }
0x2e: {  	s19 =	sand.u32 $0x600, s19;
	s18 =	sand.u32 $0x70, s31;
	(erf) = vpow2.f32 v7  }
0x2f: {  	s18 =	sor.u32 s18, s19;
	v3 =	vshra.s32 v3, $0x8;
	(erf) = vrcp.f32 v10  }
0x30: {  	v2 =	vld [tilespmem:s18+$0x0];
	v11 =	vcvt.s32.f32 v3;
	v7 =	vsub.f32 v8, v5  }
0x31: {  	v4 =	vld [tilespmem:s18+$0x80];
	[tilespmem:s16+$0x1000] =	vst v1;
	v5 =	vtrunc.f32 v9;
	v1 =	vpop (erf)  }
0x32: {  	v7 =	vmul.f32 $1.442695020e+00, v7;
	v3 =	vld [tilespmem:s18+$0x100];
	[tilespmem:s16+$0x1080] =	vst v11;
	v5 =	vcvt.f32.s32 v5;
	v9 =	vpop (erf)  }
0x33: {  	s20 =	simm.s32 $0x180;
	s19 =	simm.s32 $0x60;
	v8 =	vadd.f32 $1.000000000e+00, v1;
	[tilespmem:s13+$0x1100] =	vst v9;
	v6 =	vmul.f32 v9, v6  }
.LBB2_2:
0x34: {  	s21 =	sand.u32 $0x70, s19;
	s22 =	sand.u32 $0x600, s20;
	v9 =	vand.u32 $0xFF, v5;
	v5 =	vshra.s32 v5, $0x8;
	(erf) = vpow2.f32 v7;
	p0 =	sne.s32 s19, $0x1F0  }
.Ltmp0:
0x35: {  	s21 =	sor.u32 s21, s22;
	v7 =	vcvt.s32.f32 v9;
	(erf) = vrcp.f32 v8;
	[tilespmem:s13+$0x1180] =	vst v6;
	s13 =	smov.u32 s14;
	(pc) =	sbr.rel @p0 .LBB2_2-.Ltmp0, $4  }
0x36: {  	s19 =	sadd.s32 $0x10, s19;
	v8 =	vcvt.s32.f32 v5;
	s14 =	smov.u32 s15;
	v10 =	vsub.f32 v4, v2;
	v2 =	vld [tilespmem:s21+$0x0]  }
0x37: {  	s15 =	smov.u32 s16;
	s16 =	smov.u32 s17;
	v4 =	vld [tilespmem:s21+$0x80];
	v5 =	vtrunc.f32 v3;
	[tilespmem:s17+$0x1000] =	vst v7;
	v9 =	vpop (erf);
	s17 =	smov.u32 s18  }
0x38: {  	s18 =	smov.u32 s21;
	v3 =	vld [tilespmem:s21+$0x100];
	v5 =	vcvt.f32.s32 v5;
	v7 =	vmul.f32 $1.442695020e+00, v10;
	[tilespmem:s16+$0x1080] =	vst v8;
	v6 =	vpop (erf)  }
0x39: {  	s20 =	sadd.s32 $0x40, s20;
	v8 =	vadd.f32 $1.000000000e+00, v9;
	[tilespmem:s13+$0x1100] =	vst v6;
	v6 =	vmul.f32 v6, v0;
	v0 =	vmovc v1;
	v1 =	vmov v9  }
0x3a: {  	_ =	sdelay $0x1  }
0x3b: {  	v2 =	vsub.f32 v4, v2;
	_ =	sdelay $0x1  }
0x3c: {  	(erf) = vpow2.f32 v7;
	v2 =	vmul.f32 $1.442695020e+00, v2  }
0x3d: {  	(erf) = vrcp.f32 v8  }
0x3e: {  	(erf) = vpow2.f32 v2;
	_ =	sdelay $0x2  }
0x3f: {  	v2 =	vpop (erf)  }
0x40: {  	v7 =	vadd.f32 $1.000000000e+00, v2;
	_ =	sdelay $0x1  }
0x41: {  	v4 =	vpop (erf)  }
0x42: {  	v8 =	vand.u32 $0xFF, v5;
	v5 =	vshra.s32 v5, $0x8;
	v9 =	vpop (erf)  }
0x43: {  	v8 =	vcvt.s32.f32 v8;
	(erf) = vrcp.f32 v7;
	v10 =	vadd.f32 $1.000000000e+00, v9;
	v7 =	vpop (erf)  }
0x44: {  	v5 =	vcvt.s32.f32 v5;
	v3 =	vtrunc.f32 v3;
	v11 =	vpop (erf)  }
0x45: {  	[tilespmem:s13+$0x1180] =	vst v6;
	v3 =	vcvt.f32.s32 v3;
	(erf) = vrcp.f32 v10;
	v6 =	vadd.f32 $1.000000000e+00, v11  }
0x46: {  	[tilespmem:s17+$0x1000] =	vst v8  }
0x47: {  	[tilespmem:s17+$0x1080] =	vst v5;
	v5 =	vand.u32 $0xFF, v3;
	v0 =	vmul.f32 v4, v0;
	(erf) = vrcp.f32 v6  }
0x48: {  	v3 =	vshra.s32 v3, $0x8;
	[tilespmem:s14+$0x1100] =	vst v4;
	v4 =	vcvt.s32.f32 v5  }
0x49: {  	[tilespmem:s14+$0x1180] =	vst v0;
	v0 =	vcvt.s32.f32 v3  }
0x4a: {  	[tilespmem:s18+$0x1000] =	vst v4  }
0x4b: {  	[tilespmem:s18+$0x1080] =	vst v0;
	v0 =	vmul.f32 v7, v1  }
0x4c: {  	[tilespmem:s15+$0x1100] =	vst v7;
	v1 =	vpop (erf)  }
0x4d: {  	[tilespmem:s15+$0x1180] =	vst v0;
	v0 =	vmul.f32 v1, v2  }
0x4e: {  	[tilespmem:s16+$0x1100] =	vst v1;
	v1 =	vpop (erf)  }
0x4f: {  	[tilespmem:s16+$0x1180] =	vst v0;
	v0 =	vmul.f32 v1, v9  }
0x50: {  	[tilespmem:s17+$0x1100] =	vst v1;
	v1 =	vpop (erf)  }
0x51: {  	[tilespmem:s17+$0x1180] =	vst v0;
	v0 =	vmul.f32 v1, v11  }
0x52: {  	[tilespmem:s18+$0x1100] =	vst v1  }
0x53: {  	[tilespmem:s18+$0x1180] =	vst v0  }
0x54: {  	s20 =	simm.s32 $0x0;
	_ =	swait.ge [sflag:s9], $0x800  }
0x55: {  	s21 =	sand.u32 $0x70, s20;
	s13 =	sand.u32 $0x600, s20;
	[sflag:s9] =	ssyncset.done $0x0  }
0x56: {  	s13 =	sor.u32 s21, s13;
	[sflag:s9] =	ssyncadd.s32 $0xFFFFF800  }
0x57: {  	v0 =	vld [tilespmem:s13+$0x800]  }
0x58: {  	v1 =	vld [tilespmem:s13+$0x880]  }
0x59: {  	v2 =	vld [tilespmem:s13+$0x900];
	_ =	sdelay $0x1  }
0x5a: {  	s22 =	simm.s32 $0x10;
	s23 =	simm.s32 $0x40  }
0x5b: {  	s14 =	sand.u32 $0x70, s22;
	s15 =	sand.u32 $0x600, s23  }
0x5c: {  	s14 =	sor.u32 s14, s15  }
0x5d: {  	v0 =	vsub.f32 v1, v0;
	v1 =	vtrunc.f32 v2;
	v2 =	vld [tilespmem:s14+$0x900]  }
0x5e: {  	v3 =	vld [tilespmem:s14+$0x800];
	v1 =	vcvt.f32.s32 v1  }
0x5f: {  	s24 =	simm.s32 $0x20;
	s25 =	simm.s32 $0x80;
	v4 =	vld [tilespmem:s14+$0x880];
	v0 =	vmul.f32 $1.442695020e+00, v0  }
0x60: {  	s15 =	sand.u32 $0x70, s24;
	s16 =	sand.u32 $0x600, s25;
	v5 =	vand.u32 $0xFF, v1  }
0x61: {  	s15 =	sor.u32 s15, s16;
	(erf) = vpow2.f32 v0;
	v0 =	vcvt.s32.f32 v5  }
0x62: {  	v6 =	vld [tilespmem:s15+$0x880];
	v1 =	vshra.s32 v1, $0x8;
	v2 =	vtrunc.f32 v2  }
0x63: {  	v5 =	vld [tilespmem:s15+$0x800];
	v1 =	vcvt.s32.f32 v1;
	[tilespmem:s13+$0x1800] =	vst v0;
	v0 =	vcvt.f32.s32 v2  }
0x64: {  	s26 =	simm.s32 $0x30;
	s28 =	simm.s32 $0xC0;
	v2 =	vsub.f32 v4, v3;
	v3 =	vld [tilespmem:s15+$0x900]  }
0x65: {  	s16 =	sand.u32 $0x70, s26;
	s17 =	sand.u32 $0x600, s28;
	[tilespmem:s13+$0x1880] =	vst v1;
	v1 =	vand.u32 $0xFF, v0  }
0x66: {  	s16 =	sor.u32 s16, s17;
	v1 =	vcvt.s32.f32 v1  }
0x67: {  	v4 =	vld [tilespmem:s16+$0x800]  }
0x68: {  	v2 =	vmul.f32 $1.442695020e+00, v2;
	v7 =	vld [tilespmem:s16+$0x880];
	[tilespmem:s14+$0x1800] =	vst v1  }
0x69: {  	v1 =	vtrunc.f32 v3;
	v3 =	vld [tilespmem:s16+$0x900]  }
0x6a: {  	v0 =	vshra.s32 v0, $0x8;
	(erf) = vpow2.f32 v2;
	v2 =	vsub.f32 v6, v5  }
0x6b: {  	v0 =	vcvt.s32.f32 v0  }
0x6c: {  	v2 =	vmul.f32 $1.442695020e+00, v2;
	v1 =	vcvt.f32.s32 v1  }
0x6d: {  	s29 =	simm.s32 $0x40;
	s30 =	simm.s32 $0x100  }
0x6e: {  	s17 =	sand.u32 $0x70, s29;
	s18 =	sand.u32 $0x600, s30;
	[tilespmem:s14+$0x1880] =	vst v0;
	v6 =	vpop (erf);
	(erf) = vpow2.f32 v2;
	v0 =	vand.u32 $0xFF, v1;
	v2 =	vtrunc.f32 v3  }
0x6f: {  	s17 =	sor.u32 s17, s18;
	v5 =	vadd.f32 $1.000000000e+00, v6;
	v0 =	vcvt.s32.f32 v0;
	v3 =	vcvt.f32.s32 v2  }
0x70: {  	v8 =	vld [tilespmem:s17+$0x880]  }
0x71: {  	v1 =	vshra.s32 v1, $0x8;
	(erf) = vrcp.f32 v5;
	v5 =	vld [tilespmem:s17+$0x800];
	[tilespmem:s15+$0x1800] =	vst v0;
	v0 =	vand.u32 $0xFF, v3  }
0x72: {  	v4 =	vsub.f32 v7, v4;
	v1 =	vcvt.s32.f32 v1;
	_ =	sdelay $0x1  }
0x73: {  	v7 =	vmul.f32 $1.442695020e+00, v4;
	v9 =	vld [tilespmem:s17+$0x900];
	[tilespmem:s15+$0x1880] =	vst v1;
	v1 =	vcvt.s32.f32 v0;
	v0 =	vpop (erf)  }
0x74: {  	s31 =	simm.s32 $0x50;
	s19 =	simm.s32 $0x140;
	v10 =	vadd.f32 $1.000000000e+00, v0  }
0x75: {  	s19 =	sand.u32 $0x600, s19;
	s18 =	sand.u32 $0x70, s31;
	(erf) = vpow2.f32 v7  }
0x76: {  	s18 =	sor.u32 s18, s19;
	v3 =	vshra.s32 v3, $0x8;
	(erf) = vrcp.f32 v10  }
0x77: {  	v2 =	vld [tilespmem:s18+$0x800];
	v11 =	vcvt.s32.f32 v3;
	v7 =	vsub.f32 v8, v5  }
0x78: {  	v4 =	vld [tilespmem:s18+$0x880];
	[tilespmem:s16+$0x1800] =	vst v1;
	v5 =	vtrunc.f32 v9;
	v1 =	vpop (erf)  }
0x79: {  	v7 =	vmul.f32 $1.442695020e+00, v7;
	v3 =	vld [tilespmem:s18+$0x900];
	[tilespmem:s16+$0x1880] =	vst v11;
	v5 =	vcvt.f32.s32 v5;
	v9 =	vpop (erf)  }
0x7a: {  	s20 =	simm.s32 $0x180;
	s19 =	simm.s32 $0x60;
	v8 =	vadd.f32 $1.000000000e+00, v1;
	[tilespmem:s13+$0x1900] =	vst v9;
	v6 =	vmul.f32 v9, v6  }
.LBB2_4:
0x7b: {  	s21 =	sand.u32 $0x70, s19;
	s22 =	sand.u32 $0x600, s20;
	v9 =	vand.u32 $0xFF, v5;
	v5 =	vshra.s32 v5, $0x8;
	(erf) = vpow2.f32 v7;
	p0 =	sne.s32 s19, $0x1F0  }
.Ltmp1:
0x7c: {  	s21 =	sor.u32 s21, s22;
	v7 =	vcvt.s32.f32 v9;
	(erf) = vrcp.f32 v8;
	[tilespmem:s13+$0x1980] =	vst v6;
	s13 =	smov.u32 s14;
	(pc) =	sbr.rel @p0 .LBB2_4-.Ltmp1, $4  }
0x7d: {  	s19 =	sadd.s32 $0x10, s19;
	v8 =	vcvt.s32.f32 v5;
	s14 =	smov.u32 s15;
	v10 =	vsub.f32 v4, v2;
	v2 =	vld [tilespmem:s21+$0x800]  }
0x7e: {  	s15 =	smov.u32 s16;
	s16 =	smov.u32 s17;
	v4 =	vld [tilespmem:s21+$0x880];
	v5 =	vtrunc.f32 v3;
	[tilespmem:s17+$0x1800] =	vst v7;
	v9 =	vpop (erf);
	s17 =	smov.u32 s18  }
0x7f: {  	s18 =	smov.u32 s21;
	v3 =	vld [tilespmem:s21+$0x900];
	v5 =	vcvt.f32.s32 v5;
	v7 =	vmul.f32 $1.442695020e+00, v10;
	[tilespmem:s16+$0x1880] =	vst v8;
	v6 =	vpop (erf)  }
0x80: {  	s20 =	sadd.s32 $0x40, s20;
	v8 =	vadd.f32 $1.000000000e+00, v9;
	[tilespmem:s13+$0x1900] =	vst v6;
	v6 =	vmul.f32 v6, v0;
	v0 =	vmovc v1;
	v1 =	vmov v9  }
0x81: {  	_ =	sdelay $0x1  }
0x82: {  	v2 =	vsub.f32 v4, v2;
	_ =	sdelay $0x1  }
0x83: {  	(erf) = vpow2.f32 v7;
	v2 =	vmul.f32 $1.442695020e+00, v2  }
0x84: {  	(erf) = vrcp.f32 v8  }
0x85: {  	(erf) = vpow2.f32 v2;
	_ =	sdelay $0x4  }
0x86: {  	v47 =	vpop (erf)  }
0x87: {  	v48 =	vpop (erf);
	v49 =	vadd.f32 $1.000000000e+00, v47  }
0x88: {  	v50 =	vand.u32 $0xFF, v5;
	v51 =	vshra.s32 v5, $0x8;
	v9 =	vpop (erf)  }
0x89: {  	v8 =	vcvt.s32.f32 v50;
	(erf) = vrcp.f32 v49;
	v52 =	vpop (erf);
	v10 =	vadd.f32 $1.000000000e+00, v9  }
0x8a: {  	v5 =	vcvt.s32.f32 v51;
	v3 =	vtrunc.f32 v3;
	v11 =	vpop (erf)  }
0x8b: {  	[tilespmem:s13+$0x1980] =	vst v6;
	v3 =	vcvt.f32.s32 v3;
	(erf) = vrcp.f32 v10;
	v53 =	vadd.f32 $1.000000000e+00, v11  }
0x8c: {  	[tilespmem:s17+$0x1800] =	vst v8  }
0x8d: {  	[tilespmem:s17+$0x1880] =	vst v5;
	v0 =	vmul.f32 v48, v0;
	v54 =	vand.u32 $0xFF, v3;
	(erf) = vrcp.f32 v53  }
0x8e: {  	[tilespmem:s14+$0x1900] =	vst v48;
	v3 =	vshra.s32 v3, $0x8;
	v55 =	vcvt.s32.f32 v54  }
0x8f: {  	[tilespmem:s14+$0x1980] =	vst v0;
	v56 =	vcvt.s32.f32 v3  }
0x90: {  	[tilespmem:s18+$0x1800] =	vst v55  }
0x91: {  	[tilespmem:s18+$0x1880] =	vst v56;
	v57 =	vmul.f32 v52, v1  }
0x92: {  	[tilespmem:s15+$0x1900] =	vst v52;
	v58 =	vpop (erf)  }
0x93: {  	[tilespmem:s15+$0x1980] =	vst v57;
	v59 =	vmul.f32 v58, v47  }
0x94: {  	[tilespmem:s16+$0x1900] =	vst v58;
	v60 =	vpop (erf)  }
0x95: {  	[tilespmem:s16+$0x1980] =	vst v59;
	v61 =	vmul.f32 v60, v9  }
0x96: {  	[tilespmem:s17+$0x1900] =	vst v60;
	v62 =	vpop (erf)  }
0x97: {  	s12 =	sadd.s32 $0x1, s12;
	[tilespmem:s17+$0x1980] =	vst v61;
	v63 =	vmul.f32 v62, v11  }
0x98: {  	p0 =	sne.s32 s12, s6;
	[tilespmem:s18+$0x1900] =	vst v62  }
.Ltmp2:
0x99: {  	[tilespmem:s18+$0x1980] =	vst v63;
	(pc) =	sbr.rel @p0 .LBB2_1-.Ltmp2, $4  }
0x9a: {  	[hbm4b:s5+s2] =	stream.linear.scatter [tilespmem:s10], [sflag:$0x3], $0x1000, $0x38;
	[tilespmem:$0x2000] =	vst v63  }
0x9b: {  	_ =	swait.ge [sflag:s11], $0x1000  }
0x9c: {  	[sflag:s11] =	ssyncset.done $0x0  }
0x9d: {  	[sflag:s11] =	ssyncadd.s32 $0xFFFFF000  }
0x9e: {  	_ =	sfence.sel $0x180000  }
0x9f: {  	[bflag:$0x0] =	sbarrier.arrive $0xFFFF  }
0xa0: {  	p0 =	sne.s32 s1, $0x0;
	_ =	strace $0x90000047  }
0xa1: {  	s0 =	sadd.s32 @!p0 $0x100000, s0;
	[bflag:$0x2] =	sbarrier.arrive $0xFFFF  }
0xa2: {  	[sflag:s0] =	ssyncadd.tile.s32 @!p0 $0x1;
	_ =	shalt  }
.Lfunc_end2:
_tile_overlayer_lowered:
.L_overlay_start_2:
0xa3: {  	(tag) =	ssettag $0x2  }
0xa4: {  	s0 =	rddreg [dreg:$0x0];
	s2 =	stileid.u32  }
0xa5: {  	s1 =	rddreg [dreg:$0x1];
	p0 =	sne.s32 s2, $0x0  }
0xa6: {  	s3 =	rddreg [dreg:$0x2];
	[bflag:$0x3] =	sbarrier.arrive $0xFFFF;
	s2 =	simm.s32 @!p0 $0x1C03  }
0xa7: {  	[timem:s3], [sflag:s2] =	dma.local @!p0 [hbm:s0], s1  }
0xa8: {  	s0 =	simm.s32 @!p0 $0x3  }
0xa9: {  	_ =	swait.ge @!p0 [sflag:s0], s1  }
0xaa: {  	s1 =	ssub.s32 @!p0 $0x0, s1;
	[sflag:s0] =	ssyncset.done @!p0 $0x0  }
0xab: {  	[sflag:s0] =	ssyncadd.s32 @!p0 s1  }
0xac: {  	[bflag:$0x3] =	sbarrier.arrive $0xFFFF  }
0xad: {  	_ =	shalt  }

</sc_bundles>
